<compile_context>
chip_gen: v7x
topology: tpu7x:2x2x1
jax: 0.10.2.dev20260603
libtpu: 0.0.44.dev20260713+nightly
codegen_flags: <defaults>
</compile_context>

<pallas_src>
import functools

import jax
import jax.numpy as jnp
from jax import lax
from jax.experimental import pallas as pl
from jax.experimental.pallas import tpu as pltpu
from jax.experimental.pallas import tpu_sc as plsc

_B, _T, _HIDDEN = 4, 4096, 2048
_SRPE = 256
_ABS_DIM = _HIDDEN - _SRPE
_HALF = _SRPE // 2
_M = _B * _T

_CH = 128


@functools.cache
def _sc_gather():
    info = plsc.get_sparse_core_info()
    nw = info.num_cores * info.num_subcores
    rows_per_w = _M // nw
    n_ch = rows_per_w // _CH
    mesh = plsc.VectorSubcoreMesh(core_axis_name="c", subcore_axis_name="s")

    @functools.partial(
        pl.kernel,
        out_type=(
            jax.ShapeDtypeStruct((_M, _HALF), jnp.float32),
            jax.ShapeDtypeStruct((_M, _HALF), jnp.float32),
        ),
        mesh=mesh,
        scratch_types=[
            pltpu.VMEM((_CH,), jnp.int32),
            pltpu.VMEM((_CH, _HALF), jnp.float32),
            pltpu.SemaphoreType.DMA,
        ],
    )
    def gather_k(scope_hbm, depth_hbm, sidx_hbm, didx_hbm, se_out, de_out,
                 idx_v, rows_v, sem):
        wid = lax.axis_index("s") * info.num_cores + lax.axis_index("c")
        base = wid * rows_per_w
        for table, idx_hbm, out in (
            (scope_hbm, sidx_hbm, se_out),
            (depth_hbm, didx_hbm, de_out),
        ):
            for c in range(n_ch):
                off = base + c * _CH
                pltpu.sync_copy(idx_hbm.at[pl.ds(off, _CH)], idx_v)
                pltpu.async_copy(table.at[idx_v], rows_v, sem).wait()
                pltpu.sync_copy(rows_v, out.at[pl.ds(off, _CH)])

    return gather_k


def _mm_body(x_ref, abs_ref, se_ref, de_ref, w_ref, o_ref):
    emb = jnp.concatenate(
        [abs_ref[...].astype(jnp.float32), se_ref[...], de_ref[...]], axis=1)
    y = (x_ref[...] + emb).astype(jnp.bfloat16)
    o_ref[...] = lax.dot_general(
        y, w_ref[...], (((1,), (1,)), ((), ())),
        preferred_element_type=jnp.float32)


@functools.cache
def _mm_call(bm, bn):
    t_blocks = _T // bm
    return pl.pallas_call(
        _mm_body,
        grid=(_M // bm, _HIDDEN // bn),
        in_specs=[
            pl.BlockSpec((bm, _HIDDEN), lambda i, j: (i, 0)),
            pl.BlockSpec((bm, _ABS_DIM), lambda i, j: (i % t_blocks, 0)),
            pl.BlockSpec((bm, _HALF), lambda i, j: (i, 0)),
            pl.BlockSpec((bm, _HALF), lambda i, j: (i, 0)),
            pl.BlockSpec((bn, _HIDDEN), lambda i, j: (j, 0)),
        ],
        out_specs=pl.BlockSpec((bm, bn), lambda i, j: (i, j)),
        out_shape=jax.ShapeDtypeStruct((_M, _HIDDEN), jnp.float32),
        compiler_params=pltpu.CompilerParams(
            dimension_semantics=("arbitrary", "arbitrary")),
    )


@jax.jit
def kernel(x, scope_positions, scope_depths, abs_table, scope_table,
           depth_table, W):
    sidx = scope_positions.reshape(_M).astype(jnp.int32)
    didx = scope_depths.reshape(_M).astype(jnp.int32)
    se, de = _sc_gather()(scope_table, depth_table, sidx, didx)
    out = _mm_call(1024, 512)(
        x.reshape(_M, _HIDDEN), abs_table[:_T].astype(jnp.bfloat16), se, de,
        W.astype(jnp.bfloat16))
    return out.reshape(_B, _T, _HIDDEN)

# --- scband reference (transcript-rebuilt; emitter-appended) ---
"""Pipeline reference for scband-scope-relative-position-encoding-2637109920539 (READ-ONLY COPY).

The authoritative reference and input builder live on the scoring server;
editing this copy changes nothing except your own understanding.
"""

import jax, jax.numpy as jnp
import numpy as np

B, T = 4, 4096
HIDDEN = 2048
MAX_SEQ = 8192
MAX_DEPTH = 64
SRPE = 256
ABS_DIM = HIDDEN - SRPE  # 1792
HALF = SRPE // 2         # 128


def setup_inputs(seed: int = 0) -> dict:
    key = jax.random.key(seed)
    k1, k2, k3, k4, k5, k6, k7 = jax.random.split(key, 7)
    x = jax.random.normal(k1, (B, T, HIDDEN), dtype=jnp.float32)
    scope_positions = jax.random.randint(k2, (B, T), 0, MAX_SEQ, dtype=jnp.int64 if jax.config.jax_enable_x64 else jnp.int32)
    scope_depths = jax.random.randint(k3, (B, T), 0, MAX_DEPTH, dtype=jnp.int64 if jax.config.jax_enable_x64 else jnp.int32)
    abs_table = jax.random.normal(k4, (MAX_SEQ, ABS_DIM), dtype=jnp.float32)
    scope_table = jax.random.normal(k5, (MAX_SEQ, HALF), dtype=jnp.float32)
    depth_table = jax.random.normal(k6, (MAX_DEPTH, HALF), dtype=jnp.float32)
    W = jax.random.normal(k7, (HIDDEN, HIDDEN), dtype=jnp.float32) * (1.0 / np.sqrt(HIDDEN))
    return {
        "x": x,
        "scope_positions": scope_positions,
        "scope_depths": scope_depths,
        "abs_table": abs_table,
        "scope_table": scope_table,
        "depth_table": depth_table,
        "W": W,
    }


def reference(x, scope_positions, scope_depths, abs_table, scope_table, depth_table, W):
    b, t, _ = x.shape
    abs_pos = jnp.broadcast_to(jnp.arange(t)[None, :], (b, t))
    abs_emb = jnp.take(abs_table, abs_pos, axis=0)            # [B, T, ABS_DIM]
    scope_pos_emb = jnp.take(scope_table, scope_positions, axis=0)  # [B, T, HALF]
    depth_emb = jnp.take(depth_table, scope_depths, axis=0)   # [B, T, HALF]
    full_emb = jnp.concatenate([abs_emb, scope_pos_emb, depth_emb], axis=-1)
    # torch nn.Linear(hidden, hidden, bias=False): y = inp @ W.T
    return (x + full_emb) @ W.T

if __name__ == "__main__":
    import jax
    _d = setup_inputs()
    print(jax.jit(kernel)(*tuple(_d.values())))

</pallas_src>

<mosaic_0001>
#map = affine_map<(d0, d1) -> (0, 0)>
#map1 = affine_map<(d0, d1) -> (0)>
module attributes {stable_mosaic.version = 14 : i64} {
  func.func @gather_k(%arg0: i32, %arg1: i32, %arg2: memref<8192x128xf32, #tpu.memory_space<hbm>>, %arg3: memref<64x128xf32, #tpu.memory_space<hbm>>, %arg4: memref<16384xi32, #tpu.memory_space<hbm>>, %arg5: memref<16384xi32, #tpu.memory_space<hbm>>, %arg6: memref<16384x128xf32, #tpu.memory_space<hbm>>, %arg7: memref<16384x128xf32, #tpu.memory_space<hbm>>, %arg8: memref<128xi32, #tpu.memory_space<vmem>>, %arg9: memref<128x128xf32, #tpu.memory_space<vmem>>, %arg10: memref<!tpu.dma_semaphore, #tpu.memory_space<semaphore_mem>>) attributes {dimension_semantics = [#tpu.dimension_semantics<core_parallel>, #tpu.dimension_semantics<subcore_parallel>], iteration_bounds = array<i64: 2, 16>, scalar_prefetch = 0 : i64, scratch_operands = 3 : i64, tpu.core_type = #tpu.core_type<sc_vector_subcore>, window_params = [{transform_indices = #map}, {transform_indices = #map}, {transform_indices = #map1}, {transform_indices = #map1}, {transform_indices = #map}, {transform_indices = #map}]} {
    %mul3A = arith.constant 2 : i32
    %mul3A_0 = arith.muli %arg1, %mul3A : i32
    %add3A = arith.addi %mul3A_0, %arg0 : i32
    %mul3A_1 = arith.constant 512 : i32
    %mul3A_2 = arith.muli %add3A, %mul3A_1 : i32
    %add3A_3 = arith.constant 0 : i32
    %add3A_4 = arith.addi %mul3A_2, %add3A_3 : i32
    "tpu.region"() ({
      %run_scoped3A = tpu.sem_alloc : memref<!tpu.dma_semaphore, #tpu.memory_space<semaphore_mem>>
      %dma_start3A_65 = tpu.memref_slice %arg4[%add3A_4] : memref<16384xi32, #tpu.memory_space<hbm>> -> memref<128xi32, #tpu.memory_space<hbm>>
      %dma_start3A_66 = tpu.memref_slice %arg4[%add3A_4] : memref<16384xi32, #tpu.memory_space<hbm>> -> memref<128xi32, #tpu.memory_space<hbm>>
      tpu.enqueue_dma source(%dma_start3A_66 : memref<128xi32, #tpu.memory_space<hbm>>) target(%arg8 : memref<128xi32, #tpu.memory_space<vmem>>) target_semaphore(%run_scoped3A : memref<!tpu.dma_semaphore, #tpu.memory_space<semaphore_mem>>)
      %dma_wait3A_67 = tpu.memref_slice %arg4[%add3A_4] : memref<16384xi32, #tpu.memory_space<hbm>> -> memref<128xi32, #tpu.memory_space<hbm>>
      %dma_wait3A_68 = tpu.memref_slice %arg4[%add3A_4] : memref<16384xi32, #tpu.memory_space<hbm>> -> memref<128xi32, #tpu.memory_space<hbm>>
      tpu.wait_dma2 semaphore(%run_scoped3A : memref<!tpu.dma_semaphore, #tpu.memory_space<semaphore_mem>>) src(%dma_wait3A_68 : memref<128xi32, #tpu.memory_space<hbm>>) dst(%arg8 : memref<128xi32, #tpu.memory_space<vmem>>)
      tpu.yield
    }) : () -> ()
    %dma_start3A = arith.constant 0 : i32
    %dma_start3A_5 = arith.constant 0 : i32
    %dma_start3A_6 = tpu.memref_slice %arg2[%dma_start3A, %dma_start3A_5] : memref<8192x128xf32, #tpu.memory_space<hbm>> -> memref<8192x128xf32, #tpu.memory_space<hbm>>
    tpu.enqueue_indirect_dma source(%dma_start3A_6 : memref<8192x128xf32, #tpu.memory_space<hbm>>) target(%arg9 : memref<128x128xf32, #tpu.memory_space<vmem>>) offsets(%arg8 : memref<128xi32, #tpu.memory_space<vmem>>) semaphore(%arg10 : memref<!tpu.dma_semaphore, #tpu.memory_space<semaphore_mem>>)
    %dma_wait3A = arith.constant 0 : i32
    %dma_wait3A_7 = arith.constant 0 : i32
    %dma_wait3A_8 = tpu.memref_slice %arg2[%dma_wait3A, %dma_wait3A_7] : memref<8192x128xf32, #tpu.memory_space<hbm>> -> memref<8192x128xf32, #tpu.memory_space<hbm>>
    tpu.wait_indirect_dma semaphore(%arg10 : memref<!tpu.dma_semaphore, #tpu.memory_space<semaphore_mem>>) src(%dma_wait3A_8 : memref<8192x128xf32, #tpu.memory_space<hbm>>) dst(%arg9 : memref<128x128xf32, #tpu.memory_space<vmem>>)
    "tpu.region"() ({
      %run_scoped3A = tpu.sem_alloc : memref<!tpu.dma_semaphore, #tpu.memory_space<semaphore_mem>>
      %dma_start3A_65 = arith.constant 0 : i32
      %dma_start3A_66 = tpu.memref_slice %arg6[%add3A_4, %dma_start3A_65] : memref<16384x128xf32, #tpu.memory_space<hbm>> -> memref<128x128xf32, #tpu.memory_space<hbm>>
      %dma_start3A_67 = arith.constant 0 : i32
      %dma_start3A_68 = tpu.memref_slice %arg6[%add3A_4, %dma_start3A_67] : memref<16384x128xf32, #tpu.memory_space<hbm>> -> memref<128x128xf32, #tpu.memory_space<hbm>>
      tpu.enqueue_dma source(%arg9 : memref<128x128xf32, #tpu.memory_space<vmem>>) target(%dma_start3A_68 : memref<128x128xf32, #tpu.memory_space<hbm>>) target_semaphore(%run_scoped3A : memref<!tpu.dma_semaphore, #tpu.memory_space<semaphore_mem>>)
      %dma_wait3A_69 = arith.constant 0 : i32
      %dma_wait3A_70 = tpu.memref_slice %arg6[%add3A_4, %dma_wait3A_69] : memref<16384x128xf32, #tpu.memory_space<hbm>> -> memref<128x128xf32, #tpu.memory_space<hbm>>
      %dma_wait3A_71 = arith.constant 0 : i32
      %dma_wait3A_72 = tpu.memref_slice %arg6[%add3A_4, %dma_wait3A_71] : memref<16384x128xf32, #tpu.memory_space<hbm>> -> memref<128x128xf32, #tpu.memory_space<hbm>>
      tpu.wait_dma2 semaphore(%run_scoped3A : memref<!tpu.dma_semaphore, #tpu.memory_space<semaphore_mem>>) src(%arg9 : memref<128x128xf32, #tpu.memory_space<vmem>>) dst(%dma_wait3A_72 : memref<128x128xf32, #tpu.memory_space<hbm>>)
      tpu.yield
    }) : () -> ()
    %add3A_9 = arith.constant 128 : i32
    %add3A_10 = arith.addi %mul3A_2, %add3A_9 : i32
    "tpu.region"() ({
      %run_scoped3A = tpu.sem_alloc : memref<!tpu.dma_semaphore, #tpu.memory_space<semaphore_mem>>
      %dma_start3A_65 = tpu.memref_slice %arg4[%add3A_10] : memref<16384xi32, #tpu.memory_space<hbm>> -> memref<128xi32, #tpu.memory_space<hbm>>
      %dma_start3A_66 = tpu.memref_slice %arg4[%add3A_10] : memref<16384xi32, #tpu.memory_space<hbm>> -> memref<128xi32, #tpu.memory_space<hbm>>
      tpu.enqueue_dma source(%dma_start3A_66 : memref<128xi32, #tpu.memory_space<hbm>>) target(%arg8 : memref<128xi32, #tpu.memory_space<vmem>>) target_semaphore(%run_scoped3A : memref<!tpu.dma_semaphore, #tpu.memory_space<semaphore_mem>>)
      %dma_wait3A_67 = tpu.memref_slice %arg4[%add3A_10] : memref<16384xi32, #tpu.memory_space<hbm>> -> memref<128xi32, #tpu.memory_space<hbm>>
      %dma_wait3A_68 = tpu.memref_slice %arg4[%add3A_10] : memref<16384xi32, #tpu.memory_space<hbm>> -> memref<128xi32, #tpu.memory_space<hbm>>
      tpu.wait_dma2 semaphore(%run_scoped3A : memref<!tpu.dma_semaphore, #tpu.memory_space<semaphore_mem>>) src(%dma_wait3A_68 : memref<128xi32, #tpu.memory_space<hbm>>) dst(%arg8 : memref<128xi32, #tpu.memory_space<vmem>>)
      tpu.yield
    }) : () -> ()
    %dma_start3A_11 = arith.constant 0 : i32
    %dma_start3A_12 = arith.constant 0 : i32
    %dma_start3A_13 = tpu.memref_slice %arg2[%dma_start3A_11, %dma_start3A_12] : memref<8192x128xf32, #tpu.memory_space<hbm>> -> memref<8192x128xf32, #tpu.memory_space<hbm>>
    tpu.enqueue_indirect_dma source(%dma_start3A_13 : memref<8192x128xf32, #tpu.memory_space<hbm>>) target(%arg9 : memref<128x128xf32, #tpu.memory_space<vmem>>) offsets(%arg8 : memref<128xi32, #tpu.memory_space<vmem>>) semaphore(%arg10 : memref<!tpu.dma_semaphore, #tpu.memory_space<semaphore_mem>>)
    %dma_wait3A_14 = arith.constant 0 : i32
    %dma_wait3A_15 = arith.constant 0 : i32
    %dma_wait3A_16 = tpu.memref_slice %arg2[%dma_wait3A_14, %dma_wait3A_15] : memref<8192x128xf32, #tpu.memory_space<hbm>> -> memref<8192x128xf32, #tpu.memory_space<hbm>>
    tpu.wait_indirect_dma semaphore(%arg10 : memref<!tpu.dma_semaphore, #tpu.memory_space<semaphore_mem>>) src(%dma_wait3A_16 : memref<8192x128xf32, #tpu.memory_space<hbm>>) dst(%arg9 : memref<128x128xf32, #tpu.memory_space<vmem>>)
    "tpu.region"() ({
      %run_scoped3A = tpu.sem_alloc : memref<!tpu.dma_semaphore, #tpu.memory_space<semaphore_mem>>
      %dma_start3A_65 = arith.constant 0 : i32
      %dma_start3A_66 = tpu.memref_slice %arg6[%add3A_10, %dma_start3A_65] : memref<16384x128xf32, #tpu.memory_space<hbm>> -> memref<128x128xf32, #tpu.memory_space<hbm>>
      %dma_start3A_67 = arith.constant 0 : i32
      %dma_start3A_68 = tpu.memref_slice %arg6[%add3A_10, %dma_start3A_67] : memref<16384x128xf32, #tpu.memory_space<hbm>> -> memref<128x128xf32, #tpu.memory_space<hbm>>
      tpu.enqueue_dma source(%arg9 : memref<128x128xf32, #tpu.memory_space<vmem>>) target(%dma_start3A_68 : memref<128x128xf32, #tpu.memory_space<hbm>>) target_semaphore(%run_scoped3A : memref<!tpu.dma_semaphore, #tpu.memory_space<semaphore_mem>>)
      %dma_wait3A_69 = arith.constant 0 : i32
      %dma_wait3A_70 = tpu.memref_slice %arg6[%add3A_10, %dma_wait3A_69] : memref<16384x128xf32, #tpu.memory_space<hbm>> -> memref<128x128xf32, #tpu.memory_space<hbm>>
      %dma_wait3A_71 = arith.constant 0 : i32
      %dma_wait3A_72 = tpu.memref_slice %arg6[%add3A_10, %dma_wait3A_71] : memref<16384x128xf32, #tpu.memory_space<hbm>> -> memref<128x128xf32, #tpu.memory_space<hbm>>
      tpu.wait_dma2 semaphore(%run_scoped3A : memref<!tpu.dma_semaphore, #tpu.memory_space<semaphore_mem>>) src(%arg9 : memref<128x128xf32, #tpu.memory_space<vmem>>) dst(%dma_wait3A_72 : memref<128x128xf32, #tpu.memory_space<hbm>>)
      tpu.yield
    }) : () -> ()
    %add3A_17 = arith.constant 256 : i32
    %add3A_18 = arith.addi %mul3A_2, %add3A_17 : i32
    "tpu.region"() ({
      %run_scoped3A = tpu.sem_alloc : memref<!tpu.dma_semaphore, #tpu.memory_space<semaphore_mem>>
      %dma_start3A_65 = tpu.memref_slice %arg4[%add3A_18] : memref<16384xi32, #tpu.memory_space<hbm>> -> memref<128xi32, #tpu.memory_space<hbm>>
      %dma_start3A_66 = tpu.memref_slice %arg4[%add3A_18] : memref<16384xi32, #tpu.memory_space<hbm>> -> memref<128xi32, #tpu.memory_space<hbm>>
      tpu.enqueue_dma source(%dma_start3A_66 : memref<128xi32, #tpu.memory_space<hbm>>) target(%arg8 : memref<128xi32, #tpu.memory_space<vmem>>) target_semaphore(%run_scoped3A : memref<!tpu.dma_semaphore, #tpu.memory_space<semaphore_mem>>)
      %dma_wait3A_67 = tpu.memref_slice %arg4[%add3A_18] : memref<16384xi32, #tpu.memory_space<hbm>> -> memref<128xi32, #tpu.memory_space<hbm>>
      %dma_wait3A_68 = tpu.memref_slice %arg4[%add3A_18] : memref<16384xi32, #tpu.memory_space<hbm>> -> memref<128xi32, #tpu.memory_space<hbm>>
      tpu.wait_dma2 semaphore(%run_scoped3A : memref<!tpu.dma_semaphore, #tpu.memory_space<semaphore_mem>>) src(%dma_wait3A_68 : memref<128xi32, #tpu.memory_space<hbm>>) dst(%arg8 : memref<128xi32, #tpu.memory_space<vmem>>)
      tpu.yield
    }) : () -> ()
    %dma_start3A_19 = arith.constant 0 : i32
    %dma_start3A_20 = arith.constant 0 : i32
    %dma_start3A_21 = tpu.memref_slice %arg2[%dma_start3A_19, %dma_start3A_20] : memref<8192x128xf32, #tpu.memory_space<hbm>> -> memref<8192x128xf32, #tpu.memory_space<hbm>>
    tpu.enqueue_indirect_dma source(%dma_start3A_21 : memref<8192x128xf32, #tpu.memory_space<hbm>>) target(%arg9 : memref<128x128xf32, #tpu.memory_space<vmem>>) offsets(%arg8 : memref<128xi32, #tpu.memory_space<vmem>>) semaphore(%arg10 : memref<!tpu.dma_semaphore, #tpu.memory_space<semaphore_mem>>)
    %dma_wait3A_22 = arith.constant 0 : i32
    %dma_wait3A_23 = arith.constant 0 : i32
    %dma_wait3A_24 = tpu.memref_slice %arg2[%dma_wait3A_22, %dma_wait3A_23] : memref<8192x128xf32, #tpu.memory_space<hbm>> -> memref<8192x128xf32, #tpu.memory_space<hbm>>
    tpu.wait_indirect_dma semaphore(%arg10 : memref<!tpu.dma_semaphore, #tpu.memory_space<semaphore_mem>>) src(%dma_wait3A_24 : memref<8192x128xf32, #tpu.memory_space<hbm>>) dst(%arg9 : memref<128x128xf32, #tpu.memory_space<vmem>>)
    "tpu.region"() ({
      %run_scoped3A = tpu.sem_alloc : memref<!tpu.dma_semaphore, #tpu.memory_space<semaphore_mem>>
      %dma_start3A_65 = arith.constant 0 : i32
      %dma_start3A_66 = tpu.memref_slice %arg6[%add3A_18, %dma_start3A_65] : memref<16384x128xf32, #tpu.memory_space<hbm>> -> memref<128x128xf32, #tpu.memory_space<hbm>>
      %dma_start3A_67 = arith.constant 0 : i32
      %dma_start3A_68 = tpu.memref_slice %arg6[%add3A_18, %dma_start3A_67] : memref<16384x128xf32, #tpu.memory_space<hbm>> -> memref<128x128xf32, #tpu.memory_space<hbm>>
      tpu.enqueue_dma source(%arg9 : memref<128x128xf32, #tpu.memory_space<vmem>>) target(%dma_start3A_68 : memref<128x128xf32, #tpu.memory_space<hbm>>) target_semaphore(%run_scoped3A : memref<!tpu.dma_semaphore, #tpu.memory_space<semaphore_mem>>)
      %dma_wait3A_69 = arith.constant 0 : i32
      %dma_wait3A_70 = tpu.memref_slice %arg6[%add3A_18, %dma_wait3A_69] : memref<16384x128xf32, #tpu.memory_space<hbm>> -> memref<128x128xf32, #tpu.memory_space<hbm>>
      %dma_wait3A_71 = arith.constant 0 : i32
      %dma_wait3A_72 = tpu.memref_slice %arg6[%add3A_18, %dma_wait3A_71] : memref<16384x128xf32, #tpu.memory_space<hbm>> -> memref<128x128xf32, #tpu.memory_space<hbm>>
      tpu.wait_dma2 semaphore(%run_scoped3A : memref<!tpu.dma_semaphore, #tpu.memory_space<semaphore_mem>>) src(%arg9 : memref<128x128xf32, #tpu.memory_space<vmem>>) dst(%dma_wait3A_72 : memref<128x128xf32, #tpu.memory_space<hbm>>)
      tpu.yield
    }) : () -> ()
    %add3A_25 = arith.constant 384 : i32
    %add3A_26 = arith.addi %mul3A_2, %add3A_25 : i32
    "tpu.region"() ({
      %run_scoped3A = tpu.sem_alloc : memref<!tpu.dma_semaphore, #tpu.memory_space<semaphore_mem>>
      %dma_start3A_65 = tpu.memref_slice %arg4[%add3A_26] : memref<16384xi32, #tpu.memory_space<hbm>> -> memref<128xi32, #tpu.memory_space<hbm>>
      %dma_start3A_66 = tpu.memref_slice %arg4[%add3A_26] : memref<16384xi32, #tpu.memory_space<hbm>> -> memref<128xi32, #tpu.memory_space<hbm>>
      tpu.enqueue_dma source(%dma_start3A_66 : memref<128xi32, #tpu.memory_space<hbm>>) target(%arg8 : memref<128xi32, #tpu.memory_space<vmem>>) target_semaphore(%run_scoped3A : memref<!tpu.dma_semaphore, #tpu.memory_space<semaphore_mem>>)
      %dma_wait3A_67 = tpu.memref_slice %arg4[%add3A_26] : memref<16384xi32, #tpu.memory_space<hbm>> -> memref<128xi32, #tpu.memory_space<hbm>>
      %dma_wait3A_68 = tpu.memref_slice %arg4[%add3A_26] : memref<16384xi32, #tpu.memory_space<hbm>> -> memref<128xi32, #tpu.memory_space<hbm>>
      tpu.wait_dma2 semaphore(%run_scoped3A : memref<!tpu.dma_semaphore, #tpu.memory_space<semaphore_mem>>) src(%dma_wait3A_68 : memref<128xi32, #tpu.memory_space<hbm>>) dst(%arg8 : memref<128xi32, #tpu.memory_space<vmem>>)
      tpu.yield
    }) : () -> ()
    %dma_start3A_27 = arith.constant 0 : i32
    %dma_start3A_28 = arith.constant 0 : i32
    %dma_start3A_29 = tpu.memref_slice %arg2[%dma_start3A_27, %dma_start3A_28] : memref<8192x128xf32, #tpu.memory_space<hbm>> -> memref<8192x128xf32, #tpu.memory_space<hbm>>
    tpu.enqueue_indirect_dma source(%dma_start3A_29 : memref<8192x128xf32, #tpu.memory_space<hbm>>) target(%arg9 : memref<128x128xf32, #tpu.memory_space<vmem>>) offsets(%arg8 : memref<128xi32, #tpu.memory_space<vmem>>) semaphore(%arg10 : memref<!tpu.dma_semaphore, #tpu.memory_space<semaphore_mem>>)
    %dma_wait3A_30 = arith.constant 0 : i32
    %dma_wait3A_31 = arith.constant 0 : i32
    %dma_wait3A_32 = tpu.memref_slice %arg2[%dma_wait3A_30, %dma_wait3A_31] : memref<8192x128xf32, #tpu.memory_space<hbm>> -> memref<8192x128xf32, #tpu.memory_space<hbm>>
    tpu.wait_indirect_dma semaphore(%arg10 : memref<!tpu.dma_semaphore, #tpu.memory_space<semaphore_mem>>) src(%dma_wait3A_32 : memref<8192x128xf32, #tpu.memory_space<hbm>>) dst(%arg9 : memref<128x128xf32, #tpu.memory_space<vmem>>)
    "tpu.region"() ({
      %run_scoped3A = tpu.sem_alloc : memref<!tpu.dma_semaphore, #tpu.memory_space<semaphore_mem>>
      %dma_start3A_65 = arith.constant 0 : i32
      %dma_start3A_66 = tpu.memref_slice %arg6[%add3A_26, %dma_start3A_65] : memref<16384x128xf32, #tpu.memory_space<hbm>> -> memref<128x128xf32, #tpu.memory_space<hbm>>
      %dma_start3A_67 = arith.constant 0 : i32
      %dma_start3A_68 = tpu.memref_slice %arg6[%add3A_26, %dma_start3A_67] : memref<16384x128xf32, #tpu.memory_space<hbm>> -> memref<128x128xf32, #tpu.memory_space<hbm>>
      tpu.enqueue_dma source(%arg9 : memref<128x128xf32, #tpu.memory_space<vmem>>) target(%dma_start3A_68 : memref<128x128xf32, #tpu.memory_space<hbm>>) target_semaphore(%run_scoped3A : memref<!tpu.dma_semaphore, #tpu.memory_space<semaphore_mem>>)
      %dma_wait3A_69 = arith.constant 0 : i32
      %dma_wait3A_70 = tpu.memref_slice %arg6[%add3A_26, %dma_wait3A_69] : memref<16384x128xf32, #tpu.memory_space<hbm>> -> memref<128x128xf32, #tpu.memory_space<hbm>>
      %dma_wait3A_71 = arith.constant 0 : i32
      %dma_wait3A_72 = tpu.memref_slice %arg6[%add3A_26, %dma_wait3A_71] : memref<16384x128xf32, #tpu.memory_space<hbm>> -> memref<128x128xf32, #tpu.memory_space<hbm>>
      tpu.wait_dma2 semaphore(%run_scoped3A : memref<!tpu.dma_semaphore, #tpu.memory_space<semaphore_mem>>) src(%arg9 : memref<128x128xf32, #tpu.memory_space<vmem>>) dst(%dma_wait3A_72 : memref<128x128xf32, #tpu.memory_space<hbm>>)
      tpu.yield
    }) : () -> ()
    %add3A_33 = arith.constant 0 : i32
    %add3A_34 = arith.addi %mul3A_2, %add3A_33 : i32
    "tpu.region"() ({
      %run_scoped3A = tpu.sem_alloc : memref<!tpu.dma_semaphore, #tpu.memory_space<semaphore_mem>>
      %dma_start3A_65 = tpu.memref_slice %arg5[%add3A_34] : memref<16384xi32, #tpu.memory_space<hbm>> -> memref<128xi32, #tpu.memory_space<hbm>>
      %dma_start3A_66 = tpu.memref_slice %arg5[%add3A_34] : memref<16384xi32, #tpu.memory_space<hbm>> -> memref<128xi32, #tpu.memory_space<hbm>>
      tpu.enqueue_dma source(%dma_start3A_66 : memref<128xi32, #tpu.memory_space<hbm>>) target(%arg8 : memref<128xi32, #tpu.memory_space<vmem>>) target_semaphore(%run_scoped3A : memref<!tpu.dma_semaphore, #tpu.memory_space<semaphore_mem>>)
      %dma_wait3A_67 = tpu.memref_slice %arg5[%add3A_34] : memref<16384xi32, #tpu.memory_space<hbm>> -> memref<128xi32, #tpu.memory_space<hbm>>
      %dma_wait3A_68 = tpu.memref_slice %arg5[%add3A_34] : memref<16384xi32, #tpu.memory_space<hbm>> -> memref<128xi32, #tpu.memory_space<hbm>>
      tpu.wait_dma2 semaphore(%run_scoped3A : memref<!tpu.dma_semaphore, #tpu.memory_space<semaphore_mem>>) src(%dma_wait3A_68 : memref<128xi32, #tpu.memory_space<hbm>>) dst(%arg8 : memref<128xi32, #tpu.memory_space<vmem>>)
      tpu.yield
    }) : () -> ()
    %dma_start3A_35 = arith.constant 0 : i32
    %dma_start3A_36 = arith.constant 0 : i32
    %dma_start3A_37 = tpu.memref_slice %arg3[%dma_start3A_35, %dma_start3A_36] : memref<64x128xf32, #tpu.memory_space<hbm>> -> memref<64x128xf32, #tpu.memory_space<hbm>>
    tpu.enqueue_indirect_dma source(%dma_start3A_37 : memref<64x128xf32, #tpu.memory_space<hbm>>) target(%arg9 : memref<128x128xf32, #tpu.memory_space<vmem>>) offsets(%arg8 : memref<128xi32, #tpu.memory_space<vmem>>) semaphore(%arg10 : memref<!tpu.dma_semaphore, #tpu.memory_space<semaphore_mem>>)
    %dma_wait3A_38 = arith.constant 0 : i32
    %dma_wait3A_39 = arith.constant 0 : i32
    %dma_wait3A_40 = tpu.memref_slice %arg3[%dma_wait3A_38, %dma_wait3A_39] : memref<64x128xf32, #tpu.memory_space<hbm>> -> memref<64x128xf32, #tpu.memory_space<hbm>>
    tpu.wait_indirect_dma semaphore(%arg10 : memref<!tpu.dma_semaphore, #tpu.memory_space<semaphore_mem>>) src(%dma_wait3A_40 : memref<64x128xf32, #tpu.memory_space<hbm>>) dst(%arg9 : memref<128x128xf32, #tpu.memory_space<vmem>>)
    "tpu.region"() ({
      %run_scoped3A = tpu.sem_alloc : memref<!tpu.dma_semaphore, #tpu.memory_space<semaphore_mem>>
      %dma_start3A_65 = arith.constant 0 : i32
      %dma_start3A_66 = tpu.memref_slice %arg7[%add3A_34, %dma_start3A_65] : memref<16384x128xf32, #tpu.memory_space<hbm>> -> memref<128x128xf32, #tpu.memory_space<hbm>>
      %dma_start3A_67 = arith.constant 0 : i32
      %dma_start3A_68 = tpu.memref_slice %arg7[%add3A_34, %dma_start3A_67] : memref<16384x128xf32, #tpu.memory_space<hbm>> -> memref<128x128xf32, #tpu.memory_space<hbm>>
      tpu.enqueue_dma source(%arg9 : memref<128x128xf32, #tpu.memory_space<vmem>>) target(%dma_start3A_68 : memref<128x128xf32, #tpu.memory_space<hbm>>) target_semaphore(%run_scoped3A : memref<!tpu.dma_semaphore, #tpu.memory_space<semaphore_mem>>)
      %dma_wait3A_69 = arith.constant 0 : i32
      %dma_wait3A_70 = tpu.memref_slice %arg7[%add3A_34, %dma_wait3A_69] : memref<16384x128xf32, #tpu.memory_space<hbm>> -> memref<128x128xf32, #tpu.memory_space<hbm>>
      %dma_wait3A_71 = arith.constant 0 : i32
      %dma_wait3A_72 = tpu.memref_slice %arg7[%add3A_34, %dma_wait3A_71] : memref<16384x128xf32, #tpu.memory_space<hbm>> -> memref<128x128xf32, #tpu.memory_space<hbm>>
      tpu.wait_dma2 semaphore(%run_scoped3A : memref<!tpu.dma_semaphore, #tpu.memory_space<semaphore_mem>>) src(%arg9 : memref<128x128xf32, #tpu.memory_space<vmem>>) dst(%dma_wait3A_72 : memref<128x128xf32, #tpu.memory_space<hbm>>)
      tpu.yield
    }) : () -> ()
    %add3A_41 = arith.constant 128 : i32
    %add3A_42 = arith.addi %mul3A_2, %add3A_41 : i32
    "tpu.region"() ({
      %run_scoped3A = tpu.sem_alloc : memref<!tpu.dma_semaphore, #tpu.memory_space<semaphore_mem>>
      %dma_start3A_65 = tpu.memref_slice %arg5[%add3A_42] : memref<16384xi32, #tpu.memory_space<hbm>> -> memref<128xi32, #tpu.memory_space<hbm>>
      %dma_start3A_66 = tpu.memref_slice %arg5[%add3A_42] : memref<16384xi32, #tpu.memory_space<hbm>> -> memref<128xi32, #tpu.memory_space<hbm>>
      tpu.enqueue_dma source(%dma_start3A_66 : memref<128xi32, #tpu.memory_space<hbm>>) target(%arg8 : memref<128xi32, #tpu.memory_space<vmem>>) target_semaphore(%run_scoped3A : memref<!tpu.dma_semaphore, #tpu.memory_space<semaphore_mem>>)
      %dma_wait3A_67 = tpu.memref_slice %arg5[%add3A_42] : memref<16384xi32, #tpu.memory_space<hbm>> -> memref<128xi32, #tpu.memory_space<hbm>>
      %dma_wait3A_68 = tpu.memref_slice %arg5[%add3A_42] : memref<16384xi32, #tpu.memory_space<hbm>> -> memref<128xi32, #tpu.memory_space<hbm>>
      tpu.wait_dma2 semaphore(%run_scoped3A : memref<!tpu.dma_semaphore, #tpu.memory_space<semaphore_mem>>) src(%dma_wait3A_68 : memref<128xi32, #tpu.memory_space<hbm>>) dst(%arg8 : memref<128xi32, #tpu.memory_space<vmem>>)
      tpu.yield
    }) : () -> ()
    %dma_start3A_43 = arith.constant 0 : i32
    %dma_start3A_44 = arith.constant 0 : i32
    %dma_start3A_45 = tpu.memref_slice %arg3[%dma_start3A_43, %dma_start3A_44] : memref<64x128xf32, #tpu.memory_space<hbm>> -> memref<64x128xf32, #tpu.memory_space<hbm>>
    tpu.enqueue_indirect_dma source(%dma_start3A_45 : memref<64x128xf32, #tpu.memory_space<hbm>>) target(%arg9 : memref<128x128xf32, #tpu.memory_space<vmem>>) offsets(%arg8 : memref<128xi32, #tpu.memory_space<vmem>>) semaphore(%arg10 : memref<!tpu.dma_semaphore, #tpu.memory_space<semaphore_mem>>)
    %dma_wait3A_46 = arith.constant 0 : i32
    %dma_wait3A_47 = arith.constant 0 : i32
    %dma_wait3A_48 = tpu.memref_slice %arg3[%dma_wait3A_46, %dma_wait3A_47] : memref<64x128xf32, #tpu.memory_space<hbm>> -> memref<64x128xf32, #tpu.memory_space<hbm>>
    tpu.wait_indirect_dma semaphore(%arg10 : memref<!tpu.dma_semaphore, #tpu.memory_space<semaphore_mem>>) src(%dma_wait3A_48 : memref<64x128xf32, #tpu.memory_space<hbm>>) dst(%arg9 : memref<128x128xf32, #tpu.memory_space<vmem>>)
    "tpu.region"() ({
      %run_scoped3A = tpu.sem_alloc : memref<!tpu.dma_semaphore, #tpu.memory_space<semaphore_mem>>
      %dma_start3A_65 = arith.constant 0 : i32
      %dma_start3A_66 = tpu.memref_slice %arg7[%add3A_42, %dma_start3A_65] : memref<16384x128xf32, #tpu.memory_space<hbm>> -> memref<128x128xf32, #tpu.memory_space<hbm>>
      %dma_start3A_67 = arith.constant 0 : i32
      %dma_start3A_68 = tpu.memref_slice %arg7[%add3A_42, %dma_start3A_67] : memref<16384x128xf32, #tpu.memory_space<hbm>> -> memref<128x128xf32, #tpu.memory_space<hbm>>
      tpu.enqueue_dma source(%arg9 : memref<128x128xf32, #tpu.memory_space<vmem>>) target(%dma_start3A_68 : memref<128x128xf32, #tpu.memory_space<hbm>>) target_semaphore(%run_scoped3A : memref<!tpu.dma_semaphore, #tpu.memory_space<semaphore_mem>>)
      %dma_wait3A_69 = arith.constant 0 : i32
      %dma_wait3A_70 = tpu.memref_slice %arg7[%add3A_42, %dma_wait3A_69] : memref<16384x128xf32, #tpu.memory_space<hbm>> -> memref<128x128xf32, #tpu.memory_space<hbm>>
      %dma_wait3A_71 = arith.constant 0 : i32
      %dma_wait3A_72 = tpu.memref_slice %arg7[%add3A_42, %dma_wait3A_71] : memref<16384x128xf32, #tpu.memory_space<hbm>> -> memref<128x128xf32, #tpu.memory_space<hbm>>
      tpu.wait_dma2 semaphore(%run_scoped3A : memref<!tpu.dma_semaphore, #tpu.memory_space<semaphore_mem>>) src(%arg9 : memref<128x128xf32, #tpu.memory_space<vmem>>) dst(%dma_wait3A_72 : memref<128x128xf32, #tpu.memory_space<hbm>>)
      tpu.yield
    }) : () -> ()
    %add3A_49 = arith.constant 256 : i32
    %add3A_50 = arith.addi %mul3A_2, %add3A_49 : i32
    "tpu.region"() ({
      %run_scoped3A = tpu.sem_alloc : memref<!tpu.dma_semaphore, #tpu.memory_space<semaphore_mem>>
      %dma_start3A_65 = tpu.memref_slice %arg5[%add3A_50] : memref<16384xi32, #tpu.memory_space<hbm>> -> memref<128xi32, #tpu.memory_space<hbm>>
      %dma_start3A_66 = tpu.memref_slice %arg5[%add3A_50] : memref<16384xi32, #tpu.memory_space<hbm>> -> memref<128xi32, #tpu.memory_space<hbm>>
      tpu.enqueue_dma source(%dma_start3A_66 : memref<128xi32, #tpu.memory_space<hbm>>) target(%arg8 : memref<128xi32, #tpu.memory_space<vmem>>) target_semaphore(%run_scoped3A : memref<!tpu.dma_semaphore, #tpu.memory_space<semaphore_mem>>)
      %dma_wait3A_67 = tpu.memref_slice %arg5[%add3A_50] : memref<16384xi32, #tpu.memory_space<hbm>> -> memref<128xi32, #tpu.memory_space<hbm>>
      %dma_wait3A_68 = tpu.memref_slice %arg5[%add3A_50] : memref<16384xi32, #tpu.memory_space<hbm>> -> memref<128xi32, #tpu.memory_space<hbm>>
      tpu.wait_dma2 semaphore(%run_scoped3A : memref<!tpu.dma_semaphore, #tpu.memory_space<semaphore_mem>>) src(%dma_wait3A_68 : memref<128xi32, #tpu.memory_space<hbm>>) dst(%arg8 : memref<128xi32, #tpu.memory_space<vmem>>)
      tpu.yield
    }) : () -> ()
    %dma_start3A_51 = arith.constant 0 : i32
    %dma_start3A_52 = arith.constant 0 : i32
    %dma_start3A_53 = tpu.memref_slice %arg3[%dma_start3A_51, %dma_start3A_52] : memref<64x128xf32, #tpu.memory_space<hbm>> -> memref<64x128xf32, #tpu.memory_space<hbm>>
    tpu.enqueue_indirect_dma source(%dma_start3A_53 : memref<64x128xf32, #tpu.memory_space<hbm>>) target(%arg9 : memref<128x128xf32, #tpu.memory_space<vmem>>) offsets(%arg8 : memref<128xi32, #tpu.memory_space<vmem>>) semaphore(%arg10 : memref<!tpu.dma_semaphore, #tpu.memory_space<semaphore_mem>>)
    %dma_wait3A_54 = arith.constant 0 : i32
    %dma_wait3A_55 = arith.constant 0 : i32
    %dma_wait3A_56 = tpu.memref_slice %arg3[%dma_wait3A_54, %dma_wait3A_55] : memref<64x128xf32, #tpu.memory_space<hbm>> -> memref<64x128xf32, #tpu.memory_space<hbm>>
    tpu.wait_indirect_dma semaphore(%arg10 : memref<!tpu.dma_semaphore, #tpu.memory_space<semaphore_mem>>) src(%dma_wait3A_56 : memref<64x128xf32, #tpu.memory_space<hbm>>) dst(%arg9 : memref<128x128xf32, #tpu.memory_space<vmem>>)
    "tpu.region"() ({
      %run_scoped3A = tpu.sem_alloc : memref<!tpu.dma_semaphore, #tpu.memory_space<semaphore_mem>>
      %dma_start3A_65 = arith.constant 0 : i32
      %dma_start3A_66 = tpu.memref_slice %arg7[%add3A_50, %dma_start3A_65] : memref<16384x128xf32, #tpu.memory_space<hbm>> -> memref<128x128xf32, #tpu.memory_space<hbm>>
      %dma_start3A_67 = arith.constant 0 : i32
      %dma_start3A_68 = tpu.memref_slice %arg7[%add3A_50, %dma_start3A_67] : memref<16384x128xf32, #tpu.memory_space<hbm>> -> memref<128x128xf32, #tpu.memory_space<hbm>>
      tpu.enqueue_dma source(%arg9 : memref<128x128xf32, #tpu.memory_space<vmem>>) target(%dma_start3A_68 : memref<128x128xf32, #tpu.memory_space<hbm>>) target_semaphore(%run_scoped3A : memref<!tpu.dma_semaphore, #tpu.memory_space<semaphore_mem>>)
      %dma_wait3A_69 = arith.constant 0 : i32
      %dma_wait3A_70 = tpu.memref_slice %arg7[%add3A_50, %dma_wait3A_69] : memref<16384x128xf32, #tpu.memory_space<hbm>> -> memref<128x128xf32, #tpu.memory_space<hbm>>
      %dma_wait3A_71 = arith.constant 0 : i32
      %dma_wait3A_72 = tpu.memref_slice %arg7[%add3A_50, %dma_wait3A_71] : memref<16384x128xf32, #tpu.memory_space<hbm>> -> memref<128x128xf32, #tpu.memory_space<hbm>>
      tpu.wait_dma2 semaphore(%run_scoped3A : memref<!tpu.dma_semaphore, #tpu.memory_space<semaphore_mem>>) src(%arg9 : memref<128x128xf32, #tpu.memory_space<vmem>>) dst(%dma_wait3A_72 : memref<128x128xf32, #tpu.memory_space<hbm>>)
      tpu.yield
    }) : () -> ()
    %add3A_57 = arith.constant 384 : i32
    %add3A_58 = arith.addi %mul3A_2, %add3A_57 : i32
    "tpu.region"() ({
      %run_scoped3A = tpu.sem_alloc : memref<!tpu.dma_semaphore, #tpu.memory_space<semaphore_mem>>
      %dma_start3A_65 = tpu.memref_slice %arg5[%add3A_58] : memref<16384xi32, #tpu.memory_space<hbm>> -> memref<128xi32, #tpu.memory_space<hbm>>
      %dma_start3A_66 = tpu.memref_slice %arg5[%add3A_58] : memref<16384xi32, #tpu.memory_space<hbm>> -> memref<128xi32, #tpu.memory_space<hbm>>
      tpu.enqueue_dma source(%dma_start3A_66 : memref<128xi32, #tpu.memory_space<hbm>>) target(%arg8 : memref<128xi32, #tpu.memory_space<vmem>>) target_semaphore(%run_scoped3A : memref<!tpu.dma_semaphore, #tpu.memory_space<semaphore_mem>>)
      %dma_wait3A_67 = tpu.memref_slice %arg5[%add3A_58] : memref<16384xi32, #tpu.memory_space<hbm>> -> memref<128xi32, #tpu.memory_space<hbm>>
      %dma_wait3A_68 = tpu.memref_slice %arg5[%add3A_58] : memref<16384xi32, #tpu.memory_space<hbm>> -> memref<128xi32, #tpu.memory_space<hbm>>
      tpu.wait_dma2 semaphore(%run_scoped3A : memref<!tpu.dma_semaphore, #tpu.memory_space<semaphore_mem>>) src(%dma_wait3A_68 : memref<128xi32, #tpu.memory_space<hbm>>) dst(%arg8 : memref<128xi32, #tpu.memory_space<vmem>>)
      tpu.yield
    }) : () -> ()
    %dma_start3A_59 = arith.constant 0 : i32
    %dma_start3A_60 = arith.constant 0 : i32
    %dma_start3A_61 = tpu.memref_slice %arg3[%dma_start3A_59, %dma_start3A_60] : memref<64x128xf32, #tpu.memory_space<hbm>> -> memref<64x128xf32, #tpu.memory_space<hbm>>
    tpu.enqueue_indirect_dma source(%dma_start3A_61 : memref<64x128xf32, #tpu.memory_space<hbm>>) target(%arg9 : memref<128x128xf32, #tpu.memory_space<vmem>>) offsets(%arg8 : memref<128xi32, #tpu.memory_space<vmem>>) semaphore(%arg10 : memref<!tpu.dma_semaphore, #tpu.memory_space<semaphore_mem>>)
    %dma_wait3A_62 = arith.constant 0 : i32
    %dma_wait3A_63 = arith.constant 0 : i32
    %dma_wait3A_64 = tpu.memref_slice %arg3[%dma_wait3A_62, %dma_wait3A_63] : memref<64x128xf32, #tpu.memory_space<hbm>> -> memref<64x128xf32, #tpu.memory_space<hbm>>
    tpu.wait_indirect_dma semaphore(%arg10 : memref<!tpu.dma_semaphore, #tpu.memory_space<semaphore_mem>>) src(%dma_wait3A_64 : memref<64x128xf32, #tpu.memory_space<hbm>>) dst(%arg9 : memref<128x128xf32, #tpu.memory_space<vmem>>)
    "tpu.region"() ({
      %run_scoped3A = tpu.sem_alloc : memref<!tpu.dma_semaphore, #tpu.memory_space<semaphore_mem>>
      %dma_start3A_65 = arith.constant 0 : i32
      %dma_start3A_66 = tpu.memref_slice %arg7[%add3A_58, %dma_start3A_65] : memref<16384x128xf32, #tpu.memory_space<hbm>> -> memref<128x128xf32, #tpu.memory_space<hbm>>
      %dma_start3A_67 = arith.constant 0 : i32
      %dma_start3A_68 = tpu.memref_slice %arg7[%add3A_58, %dma_start3A_67] : memref<16384x128xf32, #tpu.memory_space<hbm>> -> memref<128x128xf32, #tpu.memory_space<hbm>>
      tpu.enqueue_dma source(%arg9 : memref<128x128xf32, #tpu.memory_space<vmem>>) target(%dma_start3A_68 : memref<128x128xf32, #tpu.memory_space<hbm>>) target_semaphore(%run_scoped3A : memref<!tpu.dma_semaphore, #tpu.memory_space<semaphore_mem>>)
      %dma_wait3A_69 = arith.constant 0 : i32
      %dma_wait3A_70 = tpu.memref_slice %arg7[%add3A_58, %dma_wait3A_69] : memref<16384x128xf32, #tpu.memory_space<hbm>> -> memref<128x128xf32, #tpu.memory_space<hbm>>
      %dma_wait3A_71 = arith.constant 0 : i32
      %dma_wait3A_72 = tpu.memref_slice %arg7[%add3A_58, %dma_wait3A_71] : memref<16384x128xf32, #tpu.memory_space<hbm>> -> memref<128x128xf32, #tpu.memory_space<hbm>>
      tpu.wait_dma2 semaphore(%run_scoped3A : memref<!tpu.dma_semaphore, #tpu.memory_space<semaphore_mem>>) src(%arg9 : memref<128x128xf32, #tpu.memory_space<vmem>>) dst(%dma_wait3A_72 : memref<128x128xf32, #tpu.memory_space<hbm>>)
      tpu.yield
    }) : () -> ()
    return
  }
}

module attributes {stable_mosaic.version = 14 : i64} {
  func.func @_mm_body(%arg0: i32, %arg1: i32, %arg2: memref<1024x2048xf32, #tpu.memory_space<vmem>>, %arg3: memref<1024x1792xbf16, #tpu.memory_space<vmem>>, %arg4: memref<1024x128xf32, #tpu.memory_space<vmem>>, %arg5: memref<1024x128xf32, #tpu.memory_space<vmem>>, %arg6: memref<512x2048xbf16, #tpu.memory_space<vmem>>, %arg7: memref<1024x512xf32, #tpu.memory_space<vmem>>) attributes {dimension_semantics = [#tpu.dimension_semantics<arbitrary>, #tpu.dimension_semantics<arbitrary>], iteration_bounds = array<i64: 16, 4>, scalar_prefetch = 0 : i64, scratch_operands = 0 : i64, tpu.core_type = #tpu.core_type<tc>, window_params = [{transform_indices = @transform_0, window_bounds = array<i64: 1024, 2048>}, {transform_indices = @transform_1, window_bounds = array<i64: 1024, 1792>}, {transform_indices = @transform_2, window_bounds = array<i64: 1024, 128>}, {transform_indices = @transform_3, window_bounds = array<i64: 1024, 128>}, {transform_indices = @transform_4, window_bounds = array<i64: 512, 2048>}, {transform_indices = @transform_5, window_bounds = array<i64: 1024, 512>}]} {
    %get3A = arith.constant 0 : index
    %get3A_0 = arith.constant 0 : index
    %get3A_1 = vector.load %arg3[%get3A, %get3A_0] : memref<1024x1792xbf16, #tpu.memory_space<vmem>>, vector<1024x1792xbf16>
    %convert_element_type3A = arith.extf %get3A_1 : vector<1024x1792xbf16> to vector<1024x1792xf32>
    %get3A_2 = arith.constant 0 : index
    %get3A_3 = arith.constant 0 : index
    %get3A_4 = vector.load %arg4[%get3A_2, %get3A_3] : memref<1024x128xf32, #tpu.memory_space<vmem>>, vector<1024x128xf32>
    %get3A_5 = arith.constant 0 : index
    %get3A_6 = arith.constant 0 : index
    %get3A_7 = vector.load %arg5[%get3A_5, %get3A_6] : memref<1024x128xf32, #tpu.memory_space<vmem>>, vector<1024x128xf32>
    %concatenate3A = tpu.concatenate %convert_element_type3A, %get3A_4, %get3A_7 in 1 : vector<1024x1792xf32>, vector<1024x128xf32>, vector<1024x128xf32> -> vector<1024x2048xf32>
    %get3A_8 = arith.constant 0 : index
    %get3A_9 = arith.constant 0 : index
    %get3A_10 = vector.load %arg2[%get3A_8, %get3A_9] : memref<1024x2048xf32, #tpu.memory_space<vmem>>, vector<1024x2048xf32>
    %add3A = arith.addf %get3A_10, %concatenate3A : vector<1024x2048xf32>
    %convert_element_type3A_11 = arith.truncf %add3A : vector<1024x2048xf32> to vector<1024x2048xbf16>
    %get3A_12 = arith.constant 0 : index
    %get3A_13 = arith.constant 0 : index
    %get3A_14 = vector.load %arg6[%get3A_12, %get3A_13] : memref<512x2048xbf16, #tpu.memory_space<vmem>>, vector<512x2048xbf16>
    %dot_general3A = arith.constant dense<0.000000e+00> : vector<1024x512xf32>
    %dot_general3A_15 = tpu.matmul %convert_element_type3A_11, %get3A_14, %dot_general3A {dimension_numbers = #tpu.dot_dimension_numbers<[1], [1], [0], [0], [0, 0, 1, 0], [], []>, transpose_lhs_hint = false} : vector<1024x2048xbf16>, vector<512x2048xbf16>, vector<1024x512xf32> -> vector<1024x512xf32>
    %swap3A = arith.constant 0 : index
    %swap3A_16 = arith.constant 0 : index
    %swap3A_17 = vector.load %arg7[%swap3A, %swap3A_16] : memref<1024x512xf32, #tpu.memory_space<vmem>>, vector<1024x512xf32>
    tpu.vector_store %arg7[%swap3A, %swap3A_16], %dot_general3A_15 {strides = array<i32>} : memref<1024x512xf32, #tpu.memory_space<vmem>>, vector<1024x512xf32>,
    return
  }
  func.func @transform_0(%arg0: i32, %arg1: i32) -> (i32, i32) {
    %c0_i32 = arith.constant 0 : i32
    %c0_i32_0 = arith.constant 0 : i32
    return %arg0, %c0_i32 : i32, i32
  }
  func.func @transform_1(%arg0: i32, %arg1: i32) -> (i32, i32) {
    %jit3A = arith.constant 4 : i32
    %eq3A = arith.constant 0 : i32
    %eq3A_0 = arith.cmpi eq, %jit3A, %eq3A : i32
    %jit3A_1 = arith.constant 1 : i32
    %select_n3A = arith.select %eq3A_0, %jit3A_1, %jit3A : i32
    %rem3A = arith.remsi %arg0, %select_n3A : i32
    %ne3A = arith.constant 0 : i32
    %ne3A_2 = arith.cmpi ne, %rem3A, %ne3A : i32
    %lt3A = arith.constant 0 : i32
    %lt3A_3 = arith.cmpi slt, %rem3A, %lt3A : i32
    %lt3A_4 = arith.constant 0 : i32
    %lt3A_5 = arith.cmpi slt, %select_n3A, %lt3A_4 : i32
    %ne3A_6 = arith.xori %lt3A_3, %lt3A_5 : i1
    %and3A = arith.andi %ne3A_6, %ne3A_2 : i1
    %add3A = arith.addi %rem3A, %select_n3A : i32
    %select_n3A_7 = arith.select %and3A, %add3A, %rem3A : i32
    %c0_i32 = arith.constant 0 : i32
    %c0_i32_8 = arith.constant 0 : i32
    return %select_n3A_7, %c0_i32 : i32, i32
  }
  func.func @transform_2(%arg0: i32, %arg1: i32) -> (i32, i32) {
    %c0_i32 = arith.constant 0 : i32
    %c0_i32_0 = arith.constant 0 : i32
    return %arg0, %c0_i32 : i32, i32
  }
  func.func @transform_3(%arg0: i32, %arg1: i32) -> (i32, i32) {
    %c0_i32 = arith.constant 0 : i32
    %c0_i32_0 = arith.constant 0 : i32
    return %arg0, %c0_i32 : i32, i32
  }
  func.func @transform_4(%arg0: i32, %arg1: i32) -> (i32, i32) {
    %c0_i32 = arith.constant 0 : i32
    %c0_i32_0 = arith.constant 0 : i32
    return %arg1, %c0_i32 : i32, i32
  }
  func.func @transform_5(%arg0: i32, %arg1: i32) -> (i32, i32) {
    %c0_i32 = arith.constant 0 : i32
    return %arg0, %arg1 : i32, i32
  }
}

</mosaic_0001>

<sc_bundles>
// kernel: kernel.4.cloned.1.call-start
scs
__scs_entry_jumppad:
0x0: {  	(pc) =	sbr.rel $0x88, $3  }
0x1: {  	(tag) =	ssettag $0x0;
	lr =	simm.s32 $0x1  }
0x2: {  	[smem:$0x3F9A] =	sst lr;
	_ =	strace $0xD0000000  }
0x3: {  	_ = 	snop  }
0x4: {  	_ = 	snop  }
0x5: {  	_ = 	snop  }
0x6: {  	_ = 	snop  }
0x7: {  	_ = 	snop  }
__scs_overlays_trampoline_lowered:
0x8: {  	[smem:$0x3FA9] =	sst s0  }
0x9: {  	[smem:$0x3FAA] =	sst s1  }
0xa: {  	[smem:$0x3FAB] =	sst s2  }
0xb: {  	[smem:$0x3FAC] =	sst s3  }
0xc: {  	[smem:$0x3FAD] =	sst s4  }
0xd: {  	[smem:$0x3FAE] =	sst s5  }
0xe: {  	[smem:$0x3FAF] =	sst s6  }
0xf: {  	[smem:$0x3FB0] =	sst s7  }
0x10: {  	[smem:$0x3FB1] =	sst s8  }
0x11: {  	[smem:$0x3FB2] =	sst s9;
	s0 =	simm.s32 @!p0 $0x0  }
0x12: {  	s1 =	sld [smem:$0x3F98];
	s0 =	simm.s32 @p0 $0x1  }
0x13: {  	[smem:$0x3FB3] =	sst s0;
	s0 =	simm.s32 @!p1 $0x0  }
0x14: {  	s2 =	sld [smem:$0x3F97];
	s0 =	simm.s32 @p1 $0x1  }
0x15: {  	[smem:$0x3FB4] =	sst s0;
	s0 =	simm.s32 @!p2 $0x0  }
0x16: {  	s3 =	sld [smem:$0x3FDB];
	s0 =	simm.s32 @p2 $0x1  }
0x17: {  	s4 =	simm.s32 $0x1BF5;
	[smem:$0x3FB6] =	sst s0  }
0x18: {  	s0 =	sld [smem:$0x3F99];
	_ =	swait.ge [sflag:s4], $0x0  }
0x19: {  	s7 =	sld [smem:$0x3F9A]  }
0x1a: {  	s8 =	sadd.s32 $0xFFFFE003, lr  }
0x1b: {  	s9 =	sadd.s32 $0xFFFFFEF7, lr;
	s5 =	simm.s32 $0xFFFFFFFF;
	p2 =	slt.u32 s8, $0xFFFFF086  }
0x1c: {  	p1 =	slt.u32 s9, $0xF7A;
	s5 =	simm.s32 @!p2 $0x0  }
0x1d: {  	s5 =	simm.s32 @p1 $0x1;
	p0 =	seq.s32 s7, s2  }
0x1e: {  	s7 =	smul.u32 @!p0 $0xF7A, s2;
	p2 =	seq.s32 @!p0 s5, $0x0  }
0x1f: {  	s9 =	smul.u32 $0xF7A, s1;
	s8 =	simm.s32 @!p0 $0x1BF5;
	p2 =	por !p2, p0  }
0x20: {  	[sflag:s8] =	ssyncset.s32 @!p0 $0xFFFFF086;
	s6 =	sadd.s32 @!p0 s3, s7;
	s7 =	simm.s32 @!p0 $0x108  }
0x21: {  	s3 =	sadd.s32 s3, s9;
	s6 =	sadd.s32 @!p0 $0x88, s6;
	s7 =	simm.s32 @p2 $0x1082  }
0x22: {  	[simem:s7], [sflag:s8] =	dma.local @!p0 [hbm:s6], $0xF7A  }
0x23: {  	s9 =	sor.u32 $0xD0000000, s2;
	s6 =	simm.s32 $0x108;
	_ =	swait.ge @!p0 [sflag:s8], $0x0  }
0x24: {  	s3 =	sadd.s32 $0x88, s3;
	s6 =	simm.s32 @!p1 $0x1082;
	[sflag:s4] =	ssyncset.s32 $0xFFFFF086  }
0x25: {  	[simem:s6], [sflag:s4] =	dma.local [hbm:s3], $0xF7A  }
0x26: {  	[smem:$0x3F9A] =	sst s1;
	(tag) =	ssettag s2;
	_ =	strace s9  }
0x27: {  	s1 =	sld [smem:$0x3FAA]  }
0x28: {  	s2 =	sld [smem:$0x3FAB]  }
0x29: {  	s4 =	sld [smem:$0x3FAD]  }
0x2a: {  	p0 =	seq.s32 s5, $0x0;
	s5 =	sld [smem:$0x3FAE]  }
0x2b: {  	s6 =	sld [smem:$0x3FAF]  }
0x2c: {  	s7 =	sld [smem:$0x3FB0]  }
0x2d: {  	s3 =	simm.s32 $0x108;
	s8 =	sld [smem:$0x3FB1]  }
0x2e: {  	s3 =	simm.s32 @!p0 $0x1082;
	s9 =	sld [smem:$0x3FB2]  }
0x2f: {  	lr =	sadd.s32 s0, s3;
	s0 =	sld [smem:$0x3FA9]  }
0x30: {  	s3 =	sld [smem:$0x3FAC]  }
0x31: {  	[smem:$0x3FB5] =	sst s10  }
0x32: {  	s10 =	sld [smem:$0x3FB3];
	_ =	sdelay $0x3  }
0x33: {  	p0 =	seq.s32 s10, $0x1;
	s10 =	sld [smem:$0x3FB5];
	_ =	sdelay $0x3  }
0x34: {  	[smem:$0x3FB5] =	sst s10  }
0x35: {  	s10 =	sld [smem:$0x3FB4];
	_ =	sdelay $0x3  }
0x36: {  	p1 =	seq.s32 s10, $0x1;
	s10 =	sld [smem:$0x3FB5];
	_ =	sdelay $0x3  }
0x37: {  	[smem:$0x3FB5] =	sst s10  }
0x38: {  	s10 =	sld [smem:$0x3FB6]  }
0x39: {  	_ = 	snop;
	(pc) =	sbr.ind lr, $3  }
0x3a: {  	_ = 	snop  }
0x3b: {  	_ = 	snop  }
0x3c: {  	p2 =	seq.s32 s10, $0x1;
	s10 =	sld [smem:$0x3FB5]  }
0x3d: {  	_ =	shalt  }
0x3e: {  	_ =	shalt  }
0x3f: {  	_ =	shalt  }
0x40: {  	_ =	shalt  }
0x41: {  	_ =	shalt  }
0x42: {  	_ =	shalt  }
0x43: {  	_ =	shalt  }
0x44: {  	_ =	shalt  }
0x45: {  	_ =	shalt  }
0x46: {  	_ =	shalt  }
0x47: {  	_ =	shalt  }
0x48: {  	_ =	shalt  }
0x49: {  	_ =	shalt  }
0x4a: {  	_ =	shalt  }
0x4b: {  	_ =	shalt  }
0x4c: {  	_ =	shalt  }
0x4d: {  	_ =	shalt  }
0x4e: {  	_ =	shalt  }
0x4f: {  	_ =	shalt  }
0x50: {  	_ =	shalt  }
0x51: {  	_ =	shalt  }
0x52: {  	_ =	shalt  }
0x53: {  	_ =	shalt  }
0x54: {  	_ =	shalt  }
0x55: {  	_ =	shalt  }
0x56: {  	_ =	shalt  }
0x57: {  	_ =	shalt  }
0x58: {  	_ =	shalt  }
0x59: {  	_ =	shalt  }
0x5a: {  	_ =	shalt  }
0x5b: {  	_ =	shalt  }
0x5c: {  	_ =	shalt  }
0x5d: {  	_ =	shalt  }
0x5e: {  	_ =	shalt  }
0x5f: {  	_ =	shalt  }
0x60: {  	_ =	shalt  }
0x61: {  	_ =	shalt  }
0x62: {  	_ =	shalt  }
0x63: {  	_ =	shalt  }
0x64: {  	_ =	shalt  }
0x65: {  	_ =	shalt  }
0x66: {  	_ =	shalt  }
0x67: {  	_ =	shalt  }
0x68: {  	_ =	shalt  }
0x69: {  	_ =	shalt  }
0x6a: {  	_ =	shalt  }
0x6b: {  	_ =	shalt  }
0x6c: {  	_ =	shalt  }
0x6d: {  	_ =	shalt  }
0x6e: {  	_ =	shalt  }
0x6f: {  	_ =	shalt  }
0x70: {  	_ =	shalt  }
0x71: {  	_ =	shalt  }
0x72: {  	_ =	shalt  }
0x73: {  	_ =	shalt  }
0x74: {  	_ =	shalt  }
0x75: {  	_ =	shalt  }
0x76: {  	_ =	shalt  }
0x77: {  	_ =	shalt  }
0x78: {  	_ =	shalt  }
0x79: {  	_ =	shalt  }
0x7a: {  	_ =	shalt  }
0x7b: {  	_ =	shalt  }
0x7c: {  	_ =	shalt  }
0x7d: {  	_ =	shalt  }
0x7e: {  	_ =	shalt  }
0x7f: {  	_ =	shalt  }
0x80: {  	_ =	shalt  }
0x81: {  	_ =	shalt  }
0x82: {  	_ =	shalt  }
0x83: {  	_ =	shalt  }
0x84: {  	_ =	shalt  }
0x85: {  	_ =	shalt  }
0x86: {  	_ =	shalt  }
0x87: {  	_ =	shalt  }
.Lfunc_end0:
.L_simem_size_0:
called_computation_lowered:
.L_overlay_start_0:
0x88: {  	s2 =	sld [smem:$0x3FD9]  }
0x89: {  	s3 =	sld [smem:$0x3FFE];
	_ =	sdelay $0x1  }
0x8a: {  	s1 =	srdreg.scid  }
0x8b: {  	s0 =	sand.u32 $0x1, s1  }
0x8c: {  	s17 =	sshll.u32 s0, $0xA;
	s2 =	sadd.s32 s3, s2  }
0x8d: {  	s2 =	sadd.s32 s2, s17  }
0x8e: {  	[smem:$0x3FC1] =	sst s2  }
0x8f: {  	_ = 	snop  }
0x90: {  	s2 =	sld [smem:$0x3FC5]  }
0x91: {  	s18 =	sld [smem:$0x3FC4]  }
0x92: {  	s4 =	sld [smem:$0x3FD0];
	(tm) =	ssettm $0x1  }
0x93: {  	s5 =	sld [smem:$0x3FFB];
	_ =	sdelay $0x3  }
0x94: {  	_ =	strace s5  }
0x95: {  	s5 =	sld [smem:$0x3FFC];
	_ =	sdelay $0x3  }
0x96: {  	_ =	strace s5  }
0x97: {  	s5 =	sld [smem:$0x3FFD];
	_ =	sdelay $0x3  }
0x98: {  	_ =	strace s5  }
0x99: {  	_ =	strace $0x8FFFFFFF  }
0x9a: {  	s19 =	sld [smem:$0x3FDB];
	_ =	sdelay $0x1  }
0x9b: {  	s6 =	simm.s32 $_scs_section_size  }
0x9c: {  	s7 =	simm.s32 $_size__tile_overlayer_lowered;
	s8 =	simm.s32 $_tile_overlayer_lowered  }
0x9d: {  	s22 =	simm.s32 $0x1BFF;
	s21 =	sshll.u32 s8, $0x1;
	s5 =	sadd.s32 s6, s19  }
0x9e: {  	s9 =	simm.s32 $0x0;
	s20 =	sshll.u32 s7, $0x1;
	s7 =	sadd.s32 s21, s5  }
0x9f: {  	[timem:s9], [sflag:s22] =	dma.local [hbm:s7], s20  }
0xa0: {  	_ =	swait.ge [sflag:s22], s20  }
0xa1: {  	s6 =	ssub.s32 $0x0, s20;
	[sflag:s22] =	ssyncset.done $0x0  }
0xa2: {  	[sflag:s22] =	ssyncadd.s32 s6;
	_ =	sdelay $0x1  }
0xa3: {  	s23 =	simm.s32 $0x1B8B  }
0xa4: {  	_ =	swait.ge [sflag:s23], $0x1  }
0xa5: {  	[sflag:s23] =	ssyncset.done $0x0  }
0xa6: {  	s25 =	simm.s32 $0x1B8E;
	s24 =	sld [smem:$0x3FFE];
	[sflag:s23] =	ssyncadd.s32 $0xFFFFFFFF  }
0xa7: {  	s26 =	simm.s32 $execute0_lowered;
	[smem:$0x3FD2] =	sst s25  }
0xa8: {  	s7 =	sshll.u32 s26, $0x1;
	_ =	strace $0x80000046;
	[dreg:$0x1] =	wrdreg $0xFFFFFFFF  }
0xa9: {  	s28 =	simm.s32 $_size_execute0_lowered;
	s5 =	sadd.s32 s5, s7;
	[dreg:$0x0] =	wrdreg $0x0  }
0xaa: {  	s7 =	sshll.u32 s28, $0x1;
	[dreg:$0x2] =	wrdreg s5  }
0xab: {  	[dreg:$0x3] =	wrdreg s7  }
0xac: {  	[dreg:$0x4] =	wrdreg $0xC0  }
0xad: {  	_ =	task [dreg:s9], $0x5FFFF  }
0xae: {  	[dreg:$0x1] =	wrdreg $0xFFFFFFFF  }
0xaf: {  	[dreg:$0x0] =	wrdreg $0x60  }
0xb0: {  	[dreg:$0x2] =	wrdreg s2  }
0xb1: {  	[dreg:$0x3] =	wrdreg s18  }
0xb2: {  	[dreg:$0x4] =	wrdreg s24  }
0xb3: {  	[dreg:$0x5] =	wrdreg s4  }
0xb4: {  	[dreg:$0x6] =	wrdreg $0x9  }
0xb5: {  	_ =	task.clear_ibuf [dreg:s9], $0x7FFFF;
	_ =	strace $0x90000046  }
0xb6: {  	s29 =	simm.s32 $0x9;
	_ =	strace $0x80000048  }
0xb7: {  	_ =	swait.ge [sflag:s29], $0x1  }
0xb8: {  	[sflag:s29] =	ssyncadd.s32 $0xFFFFFFFF  }
0xb9: {  	_ =	strace $0x90000048  }
0xba: {  	_ =	sfence  }
0xbb: {  	s30 =	sld [smem:$0x0];
	_ =	sdelay $0x2  }
0xbc: {  	s31 =	sshll.u32 s1, $0xD;
	s1 =	sshrl.u32 s1, $0x2  }
0xbd: {  	s3 =	sand.u32 $0x4000, s31;
	s1 =	sadd.s32 s1, s30  }
0xbe: {  	s0 =	sor.u32 s3, s0;
	s1 =	sshll.u32 s1, $0x11  }
0xbf: {  	s0 =	sor.u32 s1, s0  }
0xc0: {  	s0 =	sadd.s32 $0x8F2B, s0  }
0xc1: {  	[sflag:s0] =	ssyncadd.remote.s32 $0x1  }
0xc2: {  	_ =	sfence.sel $0xFFFF  }
0xc3: {  	[dreg:$0x0] =	wrdreg $0xFFFFFFFF;
	(pc) =	sbr.abs _section_cstart, $3  }
0xc4: {  	[dreg:$0x1] =	wrdreg $0xFFFFFFFF  }
0xc5: {  	_ =	task.clear_ibuf [dreg:s9], $0x2FFFF;
	_ =	strace $0x9FFFFFFF  }
0xc6: {  	(tm) =	ssettm $0x7FFFFFFF  }
0xc7: {  	_ =	shalt  }
tec
execute0_lowered:
.L_overlay_start_1:
0x0: {  	(tag) =	ssettag $0x1  }
0x1: {  	s1 =	rddreg [dreg:$0x0]  }
0x2: {  	s2 =	rddreg [dreg:$0x1];
	s3 =	srdreg.scid  }
0x3: {  	s17 =	rddreg [dreg:$0x2];
	s0 =	stileid.u32;
	s23 =	sand.u32 $0x1, s3  }
0x4: {  	s15 =	rddreg [dreg:$0x3];
	s5 =	sshll.u32 s0, $0xA;
	s6 =	sshll.u32 s23, $0x9  }
0x5: {  	s4 =	simm.s32 $0x0;
	s3 =	rddreg [dreg:$0x4];
	s14 =	sor.u32 s6, s5  }
0x6: {  	[smem:$0x7FF] =	sst s4;
	s24 =	sadd.s32 $0xC00, s17;
	s16 =	sshrl.u32 s14, $0x3  }
0x7: {  	_ =	strace $0x80000047;
	s5 =	simm.s32 $0x2;
	s6 =	sadd.s32 s24, s16  }
0x8: {  	[tilespmem:s4], [sflag:$0x2] =	stream.linear.gather [hbm4b:s6+s4], $0x80, $0x38;
	[tilespmem:$0x4080] =	vst v63  }
0x9: {  	_ =	swait.ge [sflag:s5], $0x80  }
0xa: {  	[sflag:s5] =	ssyncset.done $0x0  }
0xb: {  	s7 =	simm.s32 $0x80;
	s8 =	simm.s32 $0x1;
	[sflag:s5] =	ssyncadd.s32 $0xFFFFFF80  }
0xc: {  	[tilespmem:s7], [sflag:$0x1] =	stream.indirect.gather [hbm4b:s1+s7], $0x80, s4, s7, $0xb8;
	[tilespmem:$0x4080] =	vst v63  }
0xd: {  	_ =	swait.ge [sflag:s8], $0x4000  }
0xe: {  	s18 =	sshll.u32 s14, $0x4;
	[sflag:s8] =	ssyncset.done $0x0  }
0xf: {  	s9 =	sadd.s32 s15, s18;
	[sflag:s8] =	ssyncadd.s32 $0xFFFFC000  }
0x10: {  	[hbm4b:s9+s4] =	stream.linear.scatter [tilespmem:s7], [sflag:$0x2], $0x4000, $0x38;
	[tilespmem:$0x4080] =	vst v63  }
0x11: {  	s11 =	sor.u32 $0x80, s14;
	_ =	swait.ge [sflag:s5], $0x4000  }
0x12: {  	s19 =	sshrl.u32 s11, $0x3;
	[sflag:s5] =	ssyncset.done $0x0  }
0x13: {  	s10 =	sadd.s32 s24, s19;
	[sflag:s5] =	ssyncadd.s32 $0xFFFFC000  }
0x14: {  	[tilespmem:s4], [sflag:$0x2] =	stream.linear.gather [hbm4b:s10+s4], $0x80, $0x38;
	[tilespmem:$0x4080] =	vst v63  }
0x15: {  	_ =	swait.ge [sflag:s5], $0x80  }
0x16: {  	[sflag:s5] =	ssyncset.done $0x0  }
0x17: {  	[sflag:s5] =	ssyncadd.s32 $0xFFFFFF80  }
0x18: {  	[tilespmem:s7], [sflag:$0x1] =	stream.indirect.gather [hbm4b:s1+s7], $0x80, s4, s7, $0xb8;
	[tilespmem:$0x4080] =	vst v63  }
0x19: {  	_ =	swait.ge [sflag:s8], $0x4000  }
0x1a: {  	s20 =	sshll.u32 s11, $0x4;
	[sflag:s8] =	ssyncset.done $0x0  }
0x1b: {  	s11 =	sadd.s32 s15, s20;
	[sflag:s8] =	ssyncadd.s32 $0xFFFFC000  }
0x1c: {  	[hbm4b:s11+s4] =	stream.linear.scatter [tilespmem:s7], [sflag:$0x2], $0x4000, $0x38;
	[tilespmem:$0x4080] =	vst v63  }
0x1d: {  	s13 =	sor.u32 $0x100, s14;
	_ =	swait.ge [sflag:s5], $0x4000  }
0x1e: {  	s21 =	sshrl.u32 s13, $0x3;
	[sflag:s5] =	ssyncset.done $0x0  }
0x1f: {  	s12 =	sadd.s32 s24, s21;
	[sflag:s5] =	ssyncadd.s32 $0xFFFFC000  }
0x20: {  	[tilespmem:s4], [sflag:$0x2] =	stream.linear.gather [hbm4b:s12+s4], $0x80, $0x38;
	[tilespmem:$0x4080] =	vst v63  }
0x21: {  	_ =	swait.ge [sflag:s5], $0x80  }
0x22: {  	[sflag:s5] =	ssyncset.done $0x0  }
0x23: {  	[sflag:s5] =	ssyncadd.s32 $0xFFFFFF80  }
0x24: {  	[tilespmem:s7], [sflag:$0x1] =	stream.indirect.gather [hbm4b:s1+s7], $0x80, s4, s7, $0xb8;
	[tilespmem:$0x4080] =	vst v63  }
0x25: {  	_ =	swait.ge [sflag:s8], $0x4000  }
0x26: {  	s22 =	sshll.u32 s13, $0x4;
	[sflag:s8] =	ssyncset.done $0x0  }
0x27: {  	s13 =	sadd.s32 s15, s22;
	[sflag:s8] =	ssyncadd.s32 $0xFFFFC000  }
0x28: {  	[hbm4b:s13+s4] =	stream.linear.scatter [tilespmem:s7], [sflag:$0x2], $0x4000, $0x38;
	[tilespmem:$0x4080] =	vst v63  }
0x29: {  	s25 =	sor.u32 $0x180, s14;
	_ =	swait.ge [sflag:s5], $0x4000  }
0x2a: {  	s26 =	sshrl.u32 s25, $0x3;
	[sflag:s5] =	ssyncset.done $0x0  }
0x2b: {  	s14 =	sadd.s32 s24, s26;
	[sflag:s5] =	ssyncadd.s32 $0xFFFFC000  }
0x2c: {  	[tilespmem:s4], [sflag:$0x2] =	stream.linear.gather [hbm4b:s14+s4], $0x80, $0x38;
	[tilespmem:$0x4080] =	vst v63  }
0x2d: {  	_ =	swait.ge [sflag:s5], $0x80  }
0x2e: {  	[sflag:s5] =	ssyncset.done $0x0  }
0x2f: {  	[sflag:s5] =	ssyncadd.s32 $0xFFFFFF80  }
0x30: {  	[tilespmem:s7], [sflag:$0x1] =	stream.indirect.gather [hbm4b:s1+s7], $0x80, s4, s7, $0xb8;
	[tilespmem:$0x4080] =	vst v63  }
0x31: {  	_ =	swait.ge [sflag:s8], $0x4000  }
0x32: {  	s31 =	sshll.u32 s25, $0x4;
	[sflag:s8] =	ssyncset.done $0x0  }
0x33: {  	s15 =	sadd.s32 s15, s31;
	[sflag:s8] =	ssyncadd.s32 $0xFFFFC000  }
0x34: {  	[hbm4b:s15+s4] =	stream.linear.scatter [tilespmem:s7], [sflag:$0x2], $0x4000, $0x38;
	[tilespmem:$0x4080] =	vst v63  }
0x35: {  	_ =	swait.ge [sflag:s5], $0x4000  }
0x36: {  	s29 =	sadd.s32 $0x1400, s17;
	[sflag:s5] =	ssyncset.done $0x0  }
0x37: {  	s16 =	sadd.s32 s29, s16;
	[sflag:s5] =	ssyncadd.s32 $0xFFFFC000  }
0x38: {  	[tilespmem:s4], [sflag:$0x2] =	stream.linear.gather [hbm4b:s16+s4], $0x80, $0x38;
	[tilespmem:$0x4080] =	vst v63  }
0x39: {  	_ =	swait.ge [sflag:s5], $0x80  }
0x3a: {  	[sflag:s5] =	ssyncset.done $0x0  }
0x3b: {  	[sflag:s5] =	ssyncadd.s32 $0xFFFFFF80  }
0x3c: {  	[tilespmem:s7], [sflag:$0x1] =	stream.indirect.gather [hbm4b:s2+s7], $0x80, s4, s7, $0xb8;
	[tilespmem:$0x4080] =	vst v63  }
0x3d: {  	_ =	swait.ge [sflag:s8], $0x4000  }
0x3e: {  	s28 =	sadd.s32 $0x1C00, s17;
	[sflag:s8] =	ssyncset.done $0x0  }
0x3f: {  	s17 =	sadd.s32 s28, s18;
	[sflag:s8] =	ssyncadd.s32 $0xFFFFC000  }
0x40: {  	[hbm4b:s17+s4] =	stream.linear.scatter [tilespmem:s7], [sflag:$0x2], $0x4000, $0x38;
	[tilespmem:$0x4080] =	vst v63  }
0x41: {  	_ =	swait.ge [sflag:s5], $0x4000  }
0x42: {  	[sflag:s5] =	ssyncset.done $0x0  }
0x43: {  	s18 =	sadd.s32 s29, s19;
	[sflag:s5] =	ssyncadd.s32 $0xFFFFC000  }
0x44: {  	[tilespmem:s4], [sflag:$0x2] =	stream.linear.gather [hbm4b:s18+s4], $0x80, $0x38;
	[tilespmem:$0x4080] =	vst v63  }
0x45: {  	_ =	swait.ge [sflag:s5], $0x80  }
0x46: {  	[sflag:s5] =	ssyncset.done $0x0  }
0x47: {  	[sflag:s5] =	ssyncadd.s32 $0xFFFFFF80  }
0x48: {  	[tilespmem:s7], [sflag:$0x1] =	stream.indirect.gather [hbm4b:s2+s7], $0x80, s4, s7, $0xb8;
	[tilespmem:$0x4080] =	vst v63  }
0x49: {  	_ =	swait.ge [sflag:s8], $0x4000  }
0x4a: {  	[sflag:s8] =	ssyncset.done $0x0  }
0x4b: {  	s19 =	sadd.s32 s28, s20;
	[sflag:s8] =	ssyncadd.s32 $0xFFFFC000  }
0x4c: {  	[hbm4b:s19+s4] =	stream.linear.scatter [tilespmem:s7], [sflag:$0x2], $0x4000, $0x38;
	[tilespmem:$0x4080] =	vst v63  }
0x4d: {  	_ =	swait.ge [sflag:s5], $0x4000  }
0x4e: {  	[sflag:s5] =	ssyncset.done $0x0  }
0x4f: {  	s20 =	sadd.s32 s29, s21;
	[sflag:s5] =	ssyncadd.s32 $0xFFFFC000  }
0x50: {  	[tilespmem:s4], [sflag:$0x2] =	stream.linear.gather [hbm4b:s20+s4], $0x80, $0x38;
	[tilespmem:$0x4080] =	vst v63  }
0x51: {  	_ =	swait.ge [sflag:s5], $0x80  }
0x52: {  	[sflag:s5] =	ssyncset.done $0x0  }
0x53: {  	[sflag:s5] =	ssyncadd.s32 $0xFFFFFF80  }
0x54: {  	[tilespmem:s7], [sflag:$0x1] =	stream.indirect.gather [hbm4b:s2+s7], $0x80, s4, s7, $0xb8;
	[tilespmem:$0x4080] =	vst v63  }
0x55: {  	_ =	swait.ge [sflag:s8], $0x4000  }
0x56: {  	[sflag:s8] =	ssyncset.done $0x0  }
0x57: {  	s21 =	sadd.s32 s28, s22;
	[sflag:s8] =	ssyncadd.s32 $0xFFFFC000  }
0x58: {  	[hbm4b:s21+s4] =	stream.linear.scatter [tilespmem:s7], [sflag:$0x2], $0x4000, $0x38;
	[tilespmem:$0x4080] =	vst v63  }
0x59: {  	_ =	swait.ge [sflag:s5], $0x4000  }
0x5a: {  	[sflag:s5] =	ssyncset.done $0x0  }
0x5b: {  	s23 =	ssub.s32 $0x2, s23;
	s22 =	sadd.s32 s29, s26;
	[sflag:s5] =	ssyncadd.s32 $0xFFFFC000  }
0x5c: {  	[tilespmem:s4], [sflag:$0x2] =	stream.linear.gather [hbm4b:s22+s4], $0x80, $0x38;
	[tilespmem:$0x4080] =	vst v63  }
0x5d: {  	s30 =	sshrl.u32 s23, $0x1;
	_ =	swait.ge [sflag:s5], $0x80  }
0x5e: {  	s25 =	ssub.s32 s23, s30;
	[sflag:s5] =	ssyncset.done $0x0  }
0x5f: {  	s23 =	sadd.s32 s28, s31;
	s31 =	smax.u32 s25, $0x1;
	[sflag:s5] =	ssyncadd.s32 $0xFFFFFF80  }
0x60: {  	[tilespmem:s7], [sflag:$0x1] =	stream.indirect.gather [hbm4b:s2+s7], $0x80, s4, s7, $0xb8;
	[tilespmem:$0x4080] =	vst v63  }
0x61: {  	p0 =	sne.s32 s31, $0x1;
	_ =	swait.ge [sflag:s8], $0x4000  }
.Ltmp0:
0x62: {  	[sflag:s8] =	ssyncset.done $0x0;
	(pc) =	sbr.rel @!p0 .LBB2_2-.Ltmp0, $4  }
0x63: {  	[sflag:s8] =	ssyncadd.s32 $0xFFFFC000  }
0x64: {  	[hbm4b:s23+s4] =	stream.linear.scatter [tilespmem:s7], [sflag:$0x2], $0x4000, $0x38;
	[tilespmem:$0x4080] =	vst v63  }
0x65: {  	_ =	swait.ge [sflag:s5], $0x4000  }
0x66: {  	s24 =	sadd.s32 $0xFFFFFFFF, s31;
	[sflag:s5] =	ssyncset.done $0x0  }
.LBB2_1:
0x67: {  	p0 =	sne.s32 s24, $0x1;
	s24 =	sadd.s32 $0xFFFFFFFF, s24;
	[sflag:s5] =	ssyncadd.s32 $0xFFFFC000  }
0x68: {  	[tilespmem:s4], [sflag:$0x2] =	stream.linear.gather [hbm4b:s6+s4], $0x80, $0x38;
	[tilespmem:$0x4080] =	vst v63  }
0x69: {  	_ =	swait.ge [sflag:s5], $0x80  }
0x6a: {  	[sflag:s5] =	ssyncset.done $0x0  }
0x6b: {  	[sflag:s5] =	ssyncadd.s32 $0xFFFFFF80  }
0x6c: {  	[tilespmem:s7], [sflag:$0x1] =	stream.indirect.gather [hbm4b:s1+s7], $0x80, s4, s7, $0xb8;
	[tilespmem:$0x4080] =	vst v63  }
0x6d: {  	_ =	swait.ge [sflag:s8], $0x4000  }
0x6e: {  	[sflag:s8] =	ssyncset.done $0x0  }
0x6f: {  	[sflag:s8] =	ssyncadd.s32 $0xFFFFC000  }
0x70: {  	[hbm4b:s9+s4] =	stream.linear.scatter [tilespmem:s7], [sflag:$0x2], $0x4000, $0x38;
	[tilespmem:$0x4080] =	vst v63  }
0x71: {  	_ =	swait.ge [sflag:s5], $0x4000  }
0x72: {  	[sflag:s5] =	ssyncset.done $0x0  }
0x73: {  	[sflag:s5] =	ssyncadd.s32 $0xFFFFC000  }
0x74: {  	[tilespmem:s4], [sflag:$0x2] =	stream.linear.gather [hbm4b:s10+s4], $0x80, $0x38;
	[tilespmem:$0x4080] =	vst v63  }
0x75: {  	_ =	swait.ge [sflag:s5], $0x80  }
0x76: {  	[sflag:s5] =	ssyncset.done $0x0  }
0x77: {  	[sflag:s5] =	ssyncadd.s32 $0xFFFFFF80  }
0x78: {  	[tilespmem:s7], [sflag:$0x1] =	stream.indirect.gather [hbm4b:s1+s7], $0x80, s4, s7, $0xb8;
	[tilespmem:$0x4080] =	vst v63  }
0x79: {  	_ =	swait.ge [sflag:s8], $0x4000  }
0x7a: {  	[sflag:s8] =	ssyncset.done $0x0  }
0x7b: {  	[sflag:s8] =	ssyncadd.s32 $0xFFFFC000  }
0x7c: {  	[hbm4b:s11+s4] =	stream.linear.scatter [tilespmem:s7], [sflag:$0x2], $0x4000, $0x38;
	[tilespmem:$0x4080] =	vst v63  }
0x7d: {  	_ =	swait.ge [sflag:s5], $0x4000  }
0x7e: {  	[sflag:s5] =	ssyncset.done $0x0  }
0x7f: {  	[sflag:s5] =	ssyncadd.s32 $0xFFFFC000  }
0x80: {  	[tilespmem:s4], [sflag:$0x2] =	stream.linear.gather [hbm4b:s12+s4], $0x80, $0x38;
	[tilespmem:$0x4080] =	vst v63  }
0x81: {  	_ =	swait.ge [sflag:s5], $0x80  }
0x82: {  	[sflag:s5] =	ssyncset.done $0x0  }
0x83: {  	[sflag:s5] =	ssyncadd.s32 $0xFFFFFF80  }
0x84: {  	[tilespmem:s7], [sflag:$0x1] =	stream.indirect.gather [hbm4b:s1+s7], $0x80, s4, s7, $0xb8;
	[tilespmem:$0x4080] =	vst v63  }
0x85: {  	_ =	swait.ge [sflag:s8], $0x4000  }
0x86: {  	[sflag:s8] =	ssyncset.done $0x0  }
0x87: {  	[sflag:s8] =	ssyncadd.s32 $0xFFFFC000  }
0x88: {  	[hbm4b:s13+s4] =	stream.linear.scatter [tilespmem:s7], [sflag:$0x2], $0x4000, $0x38;
	[tilespmem:$0x4080] =	vst v63  }
0x89: {  	_ =	swait.ge [sflag:s5], $0x4000  }
0x8a: {  	[sflag:s5] =	ssyncset.done $0x0  }
0x8b: {  	[sflag:s5] =	ssyncadd.s32 $0xFFFFC000  }
0x8c: {  	[tilespmem:s4], [sflag:$0x2] =	stream.linear.gather [hbm4b:s14+s4], $0x80, $0x38;
	[tilespmem:$0x4080] =	vst v63  }
0x8d: {  	_ =	swait.ge [sflag:s5], $0x80  }
0x8e: {  	[sflag:s5] =	ssyncset.done $0x0  }
0x8f: {  	[sflag:s5] =	ssyncadd.s32 $0xFFFFFF80  }
0x90: {  	[tilespmem:s7], [sflag:$0x1] =	stream.indirect.gather [hbm4b:s1+s7], $0x80, s4, s7, $0xb8;
	[tilespmem:$0x4080] =	vst v63  }
0x91: {  	_ =	swait.ge [sflag:s8], $0x4000  }
0x92: {  	[sflag:s8] =	ssyncset.done $0x0  }
0x93: {  	[sflag:s8] =	ssyncadd.s32 $0xFFFFC000  }
0x94: {  	[hbm4b:s15+s4] =	stream.linear.scatter [tilespmem:s7], [sflag:$0x2], $0x4000, $0x38;
	[tilespmem:$0x4080] =	vst v63  }
0x95: {  	_ =	swait.ge [sflag:s5], $0x4000  }
0x96: {  	[sflag:s5] =	ssyncset.done $0x0  }
0x97: {  	[sflag:s5] =	ssyncadd.s32 $0xFFFFC000  }
0x98: {  	[tilespmem:s4], [sflag:$0x2] =	stream.linear.gather [hbm4b:s16+s4], $0x80, $0x38;
	[tilespmem:$0x4080] =	vst v63  }
0x99: {  	_ =	swait.ge [sflag:s5], $0x80  }
0x9a: {  	[sflag:s5] =	ssyncset.done $0x0  }
0x9b: {  	[sflag:s5] =	ssyncadd.s32 $0xFFFFFF80  }
0x9c: {  	[tilespmem:s7], [sflag:$0x1] =	stream.indirect.gather [hbm4b:s2+s7], $0x80, s4, s7, $0xb8;
	[tilespmem:$0x4080] =	vst v63  }
0x9d: {  	_ =	swait.ge [sflag:s8], $0x4000  }
0x9e: {  	[sflag:s8] =	ssyncset.done $0x0  }
0x9f: {  	[sflag:s8] =	ssyncadd.s32 $0xFFFFC000  }
0xa0: {  	[hbm4b:s17+s4] =	stream.linear.scatter [tilespmem:s7], [sflag:$0x2], $0x4000, $0x38;
	[tilespmem:$0x4080] =	vst v63  }
0xa1: {  	_ =	swait.ge [sflag:s5], $0x4000  }
0xa2: {  	[sflag:s5] =	ssyncset.done $0x0  }
0xa3: {  	[sflag:s5] =	ssyncadd.s32 $0xFFFFC000  }
0xa4: {  	[tilespmem:s4], [sflag:$0x2] =	stream.linear.gather [hbm4b:s18+s4], $0x80, $0x38;
	[tilespmem:$0x4080] =	vst v63  }
0xa5: {  	_ =	swait.ge [sflag:s5], $0x80  }
0xa6: {  	[sflag:s5] =	ssyncset.done $0x0  }
0xa7: {  	[sflag:s5] =	ssyncadd.s32 $0xFFFFFF80  }
0xa8: {  	[tilespmem:s7], [sflag:$0x1] =	stream.indirect.gather [hbm4b:s2+s7], $0x80, s4, s7, $0xb8;
	[tilespmem:$0x4080] =	vst v63  }
0xa9: {  	_ =	swait.ge [sflag:s8], $0x4000  }
0xaa: {  	[sflag:s8] =	ssyncset.done $0x0  }
0xab: {  	[sflag:s8] =	ssyncadd.s32 $0xFFFFC000  }
0xac: {  	[hbm4b:s19+s4] =	stream.linear.scatter [tilespmem:s7], [sflag:$0x2], $0x4000, $0x38;
	[tilespmem:$0x4080] =	vst v63  }
0xad: {  	_ =	swait.ge [sflag:s5], $0x4000  }
0xae: {  	[sflag:s5] =	ssyncset.done $0x0  }
0xaf: {  	[sflag:s5] =	ssyncadd.s32 $0xFFFFC000  }
0xb0: {  	[tilespmem:s4], [sflag:$0x2] =	stream.linear.gather [hbm4b:s20+s4], $0x80, $0x38;
	[tilespmem:$0x4080] =	vst v63  }
0xb1: {  	_ =	swait.ge [sflag:s5], $0x80  }
0xb2: {  	[sflag:s5] =	ssyncset.done $0x0  }
0xb3: {  	[sflag:s5] =	ssyncadd.s32 $0xFFFFFF80  }
0xb4: {  	[tilespmem:s7], [sflag:$0x1] =	stream.indirect.gather [hbm4b:s2+s7], $0x80, s4, s7, $0xb8;
	[tilespmem:$0x4080] =	vst v63  }
0xb5: {  	_ =	swait.ge [sflag:s8], $0x4000  }
0xb6: {  	[sflag:s8] =	ssyncset.done $0x0  }
0xb7: {  	[sflag:s8] =	ssyncadd.s32 $0xFFFFC000  }
0xb8: {  	[hbm4b:s21+s4] =	stream.linear.scatter [tilespmem:s7], [sflag:$0x2], $0x4000, $0x38;
	[tilespmem:$0x4080] =	vst v63  }
0xb9: {  	_ =	swait.ge [sflag:s5], $0x4000  }
0xba: {  	[sflag:s5] =	ssyncset.done $0x0  }
0xbb: {  	[sflag:s5] =	ssyncadd.s32 $0xFFFFC000  }
0xbc: {  	[tilespmem:s4], [sflag:$0x2] =	stream.linear.gather [hbm4b:s22+s4], $0x80, $0x38;
	[tilespmem:$0x4080] =	vst v63  }
0xbd: {  	_ =	swait.ge [sflag:s5], $0x80  }
0xbe: {  	[sflag:s5] =	ssyncset.done $0x0  }
0xbf: {  	[sflag:s5] =	ssyncadd.s32 $0xFFFFFF80  }
0xc0: {  	[tilespmem:s7], [sflag:$0x1] =	stream.indirect.gather [hbm4b:s2+s7], $0x80, s4, s7, $0xb8;
	[tilespmem:$0x4080] =	vst v63  }
0xc1: {  	_ =	swait.ge [sflag:s8], $0x4000  }
.Ltmp1:
0xc2: {  	[sflag:s8] =	ssyncset.done $0x0;
	(pc) =	sbr.rel @p0 .LBB2_1-.Ltmp1, $4  }
0xc3: {  	[sflag:s8] =	ssyncadd.s32 $0xFFFFC000  }
0xc4: {  	[hbm4b:s23+s4] =	stream.linear.scatter [tilespmem:s7], [sflag:$0x2], $0x4000, $0x38;
	[tilespmem:$0x4080] =	vst v63  }
0xc5: {  	_ =	swait.ge [sflag:s5], $0x4000  }
0xc6: {  	[sflag:s5] =	ssyncset.done $0x0  }
.LBB2_2:
0xc7: {  	[sflag:s5] =	ssyncadd.s32 $0xFFFFC000  }
0xc8: {  	_ =	sfence.sel $0x180000  }
0xc9: {  	[bflag:$0x0] =	sbarrier.arrive $0xFFFF  }
0xca: {  	p0 =	sne.s32 s0, $0x0;
	_ =	strace $0x90000047  }
0xcb: {  	s0 =	sadd.s32 @!p0 $0x100000, s3;
	[bflag:$0x2] =	sbarrier.arrive $0xFFFF  }
0xcc: {  	[sflag:s0] =	ssyncadd.tile.s32 @!p0 $0x1;
	_ =	shalt  }
.Lfunc_end2:
_tile_overlayer_lowered:
.L_overlay_start_2:
0xcd: {  	(tag) =	ssettag $0x2  }
0xce: {  	s0 =	rddreg [dreg:$0x0];
	s2 =	stileid.u32  }
0xcf: {  	s1 =	rddreg [dreg:$0x1];
	p0 =	sne.s32 s2, $0x0  }
0xd0: {  	s3 =	rddreg [dreg:$0x2];
	[bflag:$0x3] =	sbarrier.arrive $0xFFFF;
	s2 =	simm.s32 @!p0 $0x1C02  }
0xd1: {  	[timem:s3], [sflag:s2] =	dma.local @!p0 [hbm:s0], s1  }
0xd2: {  	s0 =	simm.s32 @!p0 $0x2  }
0xd3: {  	_ =	swait.ge @!p0 [sflag:s0], s1  }
0xd4: {  	s1 =	ssub.s32 @!p0 $0x0, s1;
	[sflag:s0] =	ssyncset.done @!p0 $0x0  }
0xd5: {  	[sflag:s0] =	ssyncadd.s32 @!p0 s1  }
0xd6: {  	[bflag:$0x3] =	sbarrier.arrive $0xFFFF  }
0xd7: {  	_ =	shalt  }

</sc_bundles>
